<compile_context>
chip_gen: v7x
topology: tpu7x:2x2x1
jax: 0.10.2.dev20260603
libtpu: 0.0.44.dev20260713+nightly
codegen_flags: <defaults>
</compile_context>

<pallas_src>
import functools

import jax
import jax.numpy as jnp
from jax import lax
from jax.experimental import pallas as pl
from jax.experimental.pallas import tpu as pltpu
from jax.experimental.pallas import tpu_sc as plsc

_NFEATS = 64
_NMEM = 128
_BATCH = 4096
_LANES = 16
_NVREG = _NMEM // _LANES
_NWORKERS = 32
_ROWS_PER_W = _BATCH // _NWORKERS
_ROW = _NFEATS * _NMEM


def _sort16(x, asc):
  if asc:
    return jnp.sort(x)
  s, _ = plsc.sort_key_val(x, x, descending=True)
  return s


def _ce(x, y, asc):
  lo = jnp.minimum(x, y)
  hi = jnp.maximum(x, y)
  return (lo, hi) if asc else (hi, lo)


def _sort128(v):
  v = [_sort16(v[r], r % 2 == 0) for r in range(_NVREG)]
  for g in range(4):
    asc = g % 2 == 0
    a, b = _ce(v[2 * g], v[2 * g + 1], asc)
    v[2 * g], v[2 * g + 1] = _sort16(a, asc), _sort16(b, asc)
  for h in range(2):
    asc = h == 0
    base = 4 * h
    for j in (0, 1):
      v[base + j], v[base + 2 + j] = _ce(v[base + j], v[base + 2 + j], asc)
    for j in (0, 2):
      v[base + j], v[base + j + 1] = _ce(v[base + j], v[base + j + 1], asc)
    for j in range(4):
      v[base + j] = _sort16(v[base + j], asc)
  for j in range(4):
    v[j], v[j + 4] = _ce(v[j], v[j + 4], True)
  for j in (0, 1, 4, 5):
    v[j], v[j + 2] = _ce(v[j], v[j + 2], True)
  for j in (0, 2, 4, 6):
    v[j], v[j + 1] = _ce(v[j], v[j + 1], True)
  return [_sort16(x, True) for x in v]


def _body(in_hbm, alpha_hbm, beta_hbm, out_hbm, row_v, out_v, alpha_v, beta_v):
  cid = lax.axis_index("c")
  sid = lax.axis_index("s")
  wid = sid * 2 + cid
  base_row = wid * _ROWS_PER_W

  pltpu.sync_copy(alpha_hbm, alpha_v)
  pltpu.sync_copy(beta_hbm, beta_v)

  iota64 = lax.iota(jnp.int32, _LANES) * _NFEATS

  @pl.loop(0, _ROWS_PER_W)
  def _row(rr):
    row = base_row + rr
    pltpu.sync_copy(in_hbm.at[row], row_v)

    @pl.loop(0, _NFEATS)
    def _feat(i):
      a = alpha_v[pl.ds(i * _LANES, _LANES)]
      b = beta_v[pl.ds(i * _LANES, _LANES)]
      v = []
      for r in range(_NVREG):
        idx = iota64 + (i + r * _LANES * _NFEATS)
        x = plsc.load_gather(row_v, [idx])
        v.append(x * a + b)
      v = _sort128(v)
      for r in range(_NVREG):
        out_v[pl.ds(i * _NMEM + r * _LANES, _LANES)] = v[r]

    pltpu.sync_copy(out_v, out_hbm.at[row])


def kernel(inputs, alpha, beta):
  alpha_rep = jnp.repeat(alpha, _LANES)
  beta_rep = jnp.repeat(beta, _LANES)
  mesh = plsc.VectorSubcoreMesh(core_axis_name="c", subcore_axis_name="s")
  f = pl.kernel(
      _body,
      out_type=jax.ShapeDtypeStruct((_BATCH, _ROW), jnp.float32),
      mesh=mesh,
      compiler_params=pltpu.CompilerParams(needs_layout_passes=False),
      scratch_types=[
          pltpu.VMEM((_ROW,), jnp.float32),
          pltpu.VMEM((_ROW,), jnp.float32),
          pltpu.VMEM((_NFEATS * _LANES,), jnp.float32),
          pltpu.VMEM((_NFEATS * _LANES,), jnp.float32),
      ],
  )
  return f(inputs, alpha_rep, beta_rep)

# --- scband reference (transcript-rebuilt; emitter-appended) ---
"""Pipeline reference for scband-my-layer-67456756351356 (READ-ONLY COPY).

The authoritative reference and input builder live on the scoring server;
editing this copy changes nothing except your own understanding.
"""

import jax, jax.numpy as jnp
import numpy as np

NFEATS = 64
NMEM = 128
BATCH = 4096

def setup_inputs(seed: int = 0) -> dict:
    key = jax.random.key(seed)
    k1, k2, k3 = jax.random.split(key, 3)
    inputs = jax.random.normal(k1, (BATCH, NFEATS * NMEM), dtype=jnp.float32)
    alpha = jax.random.normal(k2, (NFEATS,), dtype=jnp.float32) * 0.05
    beta = jax.random.normal(k3, (NFEATS,), dtype=jnp.float32) * 0.05
    return {"inputs": inputs, "alpha": alpha, "beta": beta}

def reference(inputs, alpha, beta):
    # Faithful translation of myLayer.call:
    # for each feature i, take the strided slice inputs[:, i::nfeats] (shape [B, nmemmax]),
    # matmul with identity (kept for faithfulness), scale by alpha[i], shift by beta[i],
    # sort along the last axis, then concat all features on the last axis.
    eye = jnp.eye(NMEM, dtype=jnp.float32)
    res = []
    for i in range(NFEATS):
        sliced = inputs[:, i::NFEATS]
        scaled = alpha[i] * jnp.matmul(sliced, eye) + beta[i]
        res.append(jnp.sort(scaled, axis=-1))
    return jnp.concatenate(res, axis=-1)

if __name__ == "__main__":
    import jax
    _d = setup_inputs()
    print(jax.jit(kernel)(*tuple(_d.values())))

</pallas_src>

<mosaic_0001>
#map = affine_map<(d0, d1) -> (0, 0)>
#map1 = affine_map<(d0, d1) -> (0)>
module attributes {stable_mosaic.version = 14 : i64} {
  func.func @_body(%arg0: i32, %arg1: i32, %arg2: memref<4096x8192xf32, #tpu.memory_space<hbm>>, %arg3: memref<1024xf32, #tpu.memory_space<hbm>>, %arg4: memref<1024xf32, #tpu.memory_space<hbm>>, %arg5: memref<4096x8192xf32, #tpu.memory_space<hbm>>, %arg6: memref<8192xf32, #tpu.memory_space<vmem>>, %arg7: memref<8192xf32, #tpu.memory_space<vmem>>, %arg8: memref<1024xf32, #tpu.memory_space<vmem>>, %arg9: memref<1024xf32, #tpu.memory_space<vmem>>) attributes {dimension_semantics = [#tpu.dimension_semantics<core_parallel>, #tpu.dimension_semantics<subcore_parallel>], iteration_bounds = array<i64: 2, 16>, scalar_prefetch = 0 : i64, scratch_operands = 4 : i64, tpu.core_type = #tpu.core_type<sc_vector_subcore>, window_params = [{transform_indices = #map}, {transform_indices = #map1}, {transform_indices = #map1}, {transform_indices = #map}]} {
    %mul3A = arith.constant 2 : i32
    %mul3A_0 = arith.muli %arg1, %mul3A : i32
    %add3A = arith.addi %mul3A_0, %arg0 : i32
    %mul3A_1 = arith.constant 128 : i32
    %mul3A_2 = arith.muli %add3A, %mul3A_1 : i32
    "tpu.region"() ({
      %run_scoped3A = tpu.sem_alloc : memref<!tpu.dma_semaphore, #tpu.memory_space<semaphore_mem>>
      tpu.enqueue_dma source(%arg3 : memref<1024xf32, #tpu.memory_space<hbm>>) target(%arg8 : memref<1024xf32, #tpu.memory_space<vmem>>) target_semaphore(%run_scoped3A : memref<!tpu.dma_semaphore, #tpu.memory_space<semaphore_mem>>)
      tpu.wait_dma2 semaphore(%run_scoped3A : memref<!tpu.dma_semaphore, #tpu.memory_space<semaphore_mem>>) src(%arg3 : memref<1024xf32, #tpu.memory_space<hbm>>) dst(%arg8 : memref<1024xf32, #tpu.memory_space<vmem>>)
      tpu.yield
    }) : () -> ()
    "tpu.region"() ({
      %run_scoped3A = tpu.sem_alloc : memref<!tpu.dma_semaphore, #tpu.memory_space<semaphore_mem>>
      tpu.enqueue_dma source(%arg4 : memref<1024xf32, #tpu.memory_space<hbm>>) target(%arg9 : memref<1024xf32, #tpu.memory_space<vmem>>) target_semaphore(%run_scoped3A : memref<!tpu.dma_semaphore, #tpu.memory_space<semaphore_mem>>)
      tpu.wait_dma2 semaphore(%run_scoped3A : memref<!tpu.dma_semaphore, #tpu.memory_space<semaphore_mem>>) src(%arg4 : memref<1024xf32, #tpu.memory_space<hbm>>) dst(%arg9 : memref<1024xf32, #tpu.memory_space<vmem>>)
      tpu.yield
    }) : () -> ()
    %iota3A = tpu.iota {dimensions = array<i32: 0>} : vector<16xi32>
    %mul3A_3 = arith.constant 64 : i32
    %mul3A_4 = vector.broadcast %mul3A_3 : i32 to vector<16xi32>
    %mul3A_5 = arith.muli %iota3A, %mul3A_4 : vector<16xi32>
    %scan3A = arith.constant 0 : i32
    %scan3A_6 = arith.constant 128 : i32
    %scan3A_7 = arith.addi %scan3A, %scan3A_6 : i32
    %scan3A_8 = arith.constant 1 : i32
    scf.for %scan3A_10 = %scan3A to %scan3A_7 step %scan3A_8  : i32 {
      %mul3A_11 = arith.constant 1 : i32
      %mul3A_12 = arith.muli %scan3A_10, %mul3A_11 : i32
      %add3A_13 = arith.constant 0 : i32
      %add3A_14 = arith.addi %add3A_13, %mul3A_12 : i32
      %add3A_15 = arith.addi %mul3A_2, %add3A_14 : i32
      "tpu.region"() ({
        %run_scoped3A = tpu.sem_alloc : memref<!tpu.dma_semaphore, #tpu.memory_space<semaphore_mem>>
        %dma_start3A = arith.constant 0 : i32
        %dma_start3A_21 = tpu.memref_slice %arg2[%add3A_15, %dma_start3A] : memref<4096x8192xf32, #tpu.memory_space<hbm>> -> memref<1x8192xf32, #tpu.memory_space<hbm>>
        %dma_start3A_22 = tpu.memref_squeeze %dma_start3A_21 : memref<1x8192xf32, #tpu.memory_space<hbm>> -> memref<8192xf32, #tpu.memory_space<hbm>>
        %dma_start3A_23 = arith.constant 0 : i32
        %dma_start3A_24 = tpu.memref_slice %arg2[%add3A_15, %dma_start3A_23] : memref<4096x8192xf32, #tpu.memory_space<hbm>> -> memref<1x8192xf32, #tpu.memory_space<hbm>>
        %dma_start3A_25 = tpu.memref_squeeze %dma_start3A_24 : memref<1x8192xf32, #tpu.memory_space<hbm>> -> memref<8192xf32, #tpu.memory_space<hbm>>
        tpu.enqueue_dma source(%dma_start3A_25 : memref<8192xf32, #tpu.memory_space<hbm>>) target(%arg6 : memref<8192xf32, #tpu.memory_space<vmem>>) target_semaphore(%run_scoped3A : memref<!tpu.dma_semaphore, #tpu.memory_space<semaphore_mem>>)
        %dma_wait3A = arith.constant 0 : i32
        %dma_wait3A_26 = tpu.memref_slice %arg2[%add3A_15, %dma_wait3A] : memref<4096x8192xf32, #tpu.memory_space<hbm>> -> memref<1x8192xf32, #tpu.memory_space<hbm>>
        %dma_wait3A_27 = tpu.memref_squeeze %dma_wait3A_26 : memref<1x8192xf32, #tpu.memory_space<hbm>> -> memref<8192xf32, #tpu.memory_space<hbm>>
        %dma_wait3A_28 = arith.constant 0 : i32
        %dma_wait3A_29 = tpu.memref_slice %arg2[%add3A_15, %dma_wait3A_28] : memref<4096x8192xf32, #tpu.memory_space<hbm>> -> memref<1x8192xf32, #tpu.memory_space<hbm>>
        %dma_wait3A_30 = tpu.memref_squeeze %dma_wait3A_29 : memref<1x8192xf32, #tpu.memory_space<hbm>> -> memref<8192xf32, #tpu.memory_space<hbm>>
        tpu.wait_dma2 semaphore(%run_scoped3A : memref<!tpu.dma_semaphore, #tpu.memory_space<semaphore_mem>>) src(%dma_wait3A_30 : memref<8192xf32, #tpu.memory_space<hbm>>) dst(%arg6 : memref<8192xf32, #tpu.memory_space<vmem>>)
        tpu.yield
      }) : () -> ()
      %scan3A_16 = arith.constant 0 : i32
      %scan3A_17 = arith.constant 64 : i32
      %scan3A_18 = arith.addi %scan3A_16, %scan3A_17 : i32
      %scan3A_19 = arith.constant 1 : i32
      scf.for %scan3A_21 = %scan3A_16 to %scan3A_18 step %scan3A_19  : i32 {
        %mul3A_22 = arith.constant 1 : i32
        %mul3A_23 = arith.muli %scan3A_21, %mul3A_22 : i32
        %add3A_24 = arith.constant 0 : i32
        %add3A_25 = arith.addi %add3A_24, %mul3A_23 : i32
        %mul3A_26 = arith.constant 16 : i32
        %mul3A_27 = arith.muli %add3A_25, %mul3A_26 : i32
        %get3A = arith.index_cast %mul3A_27 : i32 to index
        %get3A_28 = tpu.vector_load %arg8[%get3A] {strides = array<i32>} : memref<1024xf32, #tpu.memory_space<vmem>>, vector<16xf32>,
        %mul3A_29 = arith.constant 16 : i32
        %mul3A_30 = arith.muli %add3A_25, %mul3A_29 : i32
        %get3A_31 = arith.index_cast %mul3A_30 : i32 to index
        %get3A_32 = tpu.vector_load %arg9[%get3A_31] {strides = array<i32>} : memref<1024xf32, #tpu.memory_space<vmem>>, vector<16xf32>,
        %add3A_33 = arith.constant 0 : i32
        %add3A_34 = arith.addi %add3A_25, %add3A_33 : i32
        %add3A_35 = vector.broadcast %add3A_34 : i32 to vector<16xi32>
        %add3A_36 = arith.addi %mul3A_5, %add3A_35 : vector<16xi32>
        %gather3A = tpu.vector_load_idx %arg6[%add3A_36] : memref<8192xf32, #tpu.memory_space<vmem>>[vector<16xi32>], vector<16xf32>,
        %mul3A_37 = arith.mulf %gather3A, %get3A_28 : vector<16xf32>
        %add3A_38 = arith.addf %mul3A_37, %get3A_32 : vector<16xf32>
        %add3A_39 = arith.constant 1024 : i32
        %add3A_40 = arith.addi %add3A_25, %add3A_39 : i32
        %add3A_41 = vector.broadcast %add3A_40 : i32 to vector<16xi32>
        %add3A_42 = arith.addi %mul3A_5, %add3A_41 : vector<16xi32>
        %gather3A_43 = tpu.vector_load_idx %arg6[%add3A_42] : memref<8192xf32, #tpu.memory_space<vmem>>[vector<16xi32>], vector<16xf32>,
        %mul3A_44 = arith.mulf %gather3A_43, %get3A_28 : vector<16xf32>
        %add3A_45 = arith.addf %mul3A_44, %get3A_32 : vector<16xf32>
        %add3A_46 = arith.constant 2048 : i32
        %add3A_47 = arith.addi %add3A_25, %add3A_46 : i32
        %add3A_48 = vector.broadcast %add3A_47 : i32 to vector<16xi32>
        %add3A_49 = arith.addi %mul3A_5, %add3A_48 : vector<16xi32>
        %gather3A_50 = tpu.vector_load_idx %arg6[%add3A_49] : memref<8192xf32, #tpu.memory_space<vmem>>[vector<16xi32>], vector<16xf32>,
        %mul3A_51 = arith.mulf %gather3A_50, %get3A_28 : vector<16xf32>
        %add3A_52 = arith.addf %mul3A_51, %get3A_32 : vector<16xf32>
        %add3A_53 = arith.constant 3072 : i32
        %add3A_54 = arith.addi %add3A_25, %add3A_53 : i32
        %add3A_55 = vector.broadcast %add3A_54 : i32 to vector<16xi32>
        %add3A_56 = arith.addi %mul3A_5, %add3A_55 : vector<16xi32>
        %gather3A_57 = tpu.vector_load_idx %arg6[%add3A_56] : memref<8192xf32, #tpu.memory_space<vmem>>[vector<16xi32>], vector<16xf32>,
        %mul3A_58 = arith.mulf %gather3A_57, %get3A_28 : vector<16xf32>
        %add3A_59 = arith.addf %mul3A_58, %get3A_32 : vector<16xf32>
        %add3A_60 = arith.constant 4096 : i32
        %add3A_61 = arith.addi %add3A_25, %add3A_60 : i32
        %add3A_62 = vector.broadcast %add3A_61 : i32 to vector<16xi32>
        %add3A_63 = arith.addi %mul3A_5, %add3A_62 : vector<16xi32>
        %gather3A_64 = tpu.vector_load_idx %arg6[%add3A_63] : memref<8192xf32, #tpu.memory_space<vmem>>[vector<16xi32>], vector<16xf32>,
        %mul3A_65 = arith.mulf %gather3A_64, %get3A_28 : vector<16xf32>
        %add3A_66 = arith.addf %mul3A_65, %get3A_32 : vector<16xf32>
        %add3A_67 = arith.constant 5120 : i32
        %add3A_68 = arith.addi %add3A_25, %add3A_67 : i32
        %add3A_69 = vector.broadcast %add3A_68 : i32 to vector<16xi32>
        %add3A_70 = arith.addi %mul3A_5, %add3A_69 : vector<16xi32>
        %gather3A_71 = tpu.vector_load_idx %arg6[%add3A_70] : memref<8192xf32, #tpu.memory_space<vmem>>[vector<16xi32>], vector<16xf32>,
        %mul3A_72 = arith.mulf %gather3A_71, %get3A_28 : vector<16xf32>
        %add3A_73 = arith.addf %mul3A_72, %get3A_32 : vector<16xf32>
        %add3A_74 = arith.constant 6144 : i32
        %add3A_75 = arith.addi %add3A_25, %add3A_74 : i32
        %add3A_76 = vector.broadcast %add3A_75 : i32 to vector<16xi32>
        %add3A_77 = arith.addi %mul3A_5, %add3A_76 : vector<16xi32>
        %gather3A_78 = tpu.vector_load_idx %arg6[%add3A_77] : memref<8192xf32, #tpu.memory_space<vmem>>[vector<16xi32>], vector<16xf32>,
        %mul3A_79 = arith.mulf %gather3A_78, %get3A_28 : vector<16xf32>
        %add3A_80 = arith.addf %mul3A_79, %get3A_32 : vector<16xf32>
        %add3A_81 = arith.constant 7168 : i32
        %add3A_82 = arith.addi %add3A_25, %add3A_81 : i32
        %add3A_83 = vector.broadcast %add3A_82 : i32 to vector<16xi32>
        %add3A_84 = arith.addi %mul3A_5, %add3A_83 : vector<16xi32>
        %gather3A_85 = tpu.vector_load_idx %arg6[%add3A_84] : memref<8192xf32, #tpu.memory_space<vmem>>[vector<16xi32>], vector<16xf32>,
        %mul3A_86 = arith.mulf %gather3A_85, %get3A_28 : vector<16xf32>
        %add3A_87 = arith.addf %mul3A_86, %get3A_32 : vector<16xf32>
        %sort3A = arith.constant dense<true> : vector<16xi1>
        %sort3A_88, %sort3A_89, %sort3A_90 = tpu.sort %add3A_38, %add3A_38 masked %sort3A : (vector<16xf32>, vector<16xf32>, vector<16xi1>) -> (vector<16xi1>, vector<16xf32>, vector<16xf32>)
        %masked_sort3A = arith.constant dense<true> : vector<16xi1>
        %masked_sort3A_91, %masked_sort3A_92, %masked_sort3A_93 = tpu.sort %add3A_45, %add3A_45 masked %masked_sort3A {descending = true} : (vector<16xf32>, vector<16xf32>, vector<16xi1>) -> (vector<16xi1>, vector<16xf32>, vector<16xf32>)
        %sort3A_94 = arith.constant dense<true> : vector<16xi1>
        %sort3A_95, %sort3A_96, %sort3A_97 = tpu.sort %add3A_52, %add3A_52 masked %sort3A_94 : (vector<16xf32>, vector<16xf32>, vector<16xi1>) -> (vector<16xi1>, vector<16xf32>, vector<16xf32>)
        %masked_sort3A_98 = arith.constant dense<true> : vector<16xi1>
        %masked_sort3A_99, %masked_sort3A_100, %masked_sort3A_101 = tpu.sort %add3A_59, %add3A_59 masked %masked_sort3A_98 {descending = true} : (vector<16xf32>, vector<16xf32>, vector<16xi1>) -> (vector<16xi1>, vector<16xf32>, vector<16xf32>)
        %sort3A_102 = arith.constant dense<true> : vector<16xi1>
        %sort3A_103, %sort3A_104, %sort3A_105 = tpu.sort %add3A_66, %add3A_66 masked %sort3A_102 : (vector<16xf32>, vector<16xf32>, vector<16xi1>) -> (vector<16xi1>, vector<16xf32>, vector<16xf32>)
        %masked_sort3A_106 = arith.constant dense<true> : vector<16xi1>
        %masked_sort3A_107, %masked_sort3A_108, %masked_sort3A_109 = tpu.sort %add3A_73, %add3A_73 masked %masked_sort3A_106 {descending = true} : (vector<16xf32>, vector<16xf32>, vector<16xi1>) -> (vector<16xi1>, vector<16xf32>, vector<16xf32>)
        %sort3A_110 = arith.constant dense<true> : vector<16xi1>
        %sort3A_111, %sort3A_112, %sort3A_113 = tpu.sort %add3A_80, %add3A_80 masked %sort3A_110 : (vector<16xf32>, vector<16xf32>, vector<16xi1>) -> (vector<16xi1>, vector<16xf32>, vector<16xf32>)
        %masked_sort3A_114 = arith.constant dense<true> : vector<16xi1>
        %masked_sort3A_115, %masked_sort3A_116, %masked_sort3A_117 = tpu.sort %add3A_87, %add3A_87 masked %masked_sort3A_114 {descending = true} : (vector<16xf32>, vector<16xf32>, vector<16xi1>) -> (vector<16xi1>, vector<16xf32>, vector<16xf32>)
        %min3A = arith.minimumf %sort3A_89, %masked_sort3A_92 : vector<16xf32>
        %max3A = arith.maximumf %sort3A_89, %masked_sort3A_92 : vector<16xf32>
        %sort3A_118 = arith.constant dense<true> : vector<16xi1>
        %sort3A_119, %sort3A_120, %sort3A_121 = tpu.sort %min3A, %min3A masked %sort3A_118 : (vector<16xf32>, vector<16xf32>, vector<16xi1>) -> (vector<16xi1>, vector<16xf32>, vector<16xf32>)
        %sort3A_122 = arith.constant dense<true> : vector<16xi1>
        %sort3A_123, %sort3A_124, %sort3A_125 = tpu.sort %max3A, %max3A masked %sort3A_122 : (vector<16xf32>, vector<16xf32>, vector<16xi1>) -> (vector<16xi1>, vector<16xf32>, vector<16xf32>)
        %min3A_126 = arith.minimumf %sort3A_96, %masked_sort3A_100 : vector<16xf32>
        %max3A_127 = arith.maximumf %sort3A_96, %masked_sort3A_100 : vector<16xf32>
        %masked_sort3A_128 = arith.constant dense<true> : vector<16xi1>
        %masked_sort3A_129, %masked_sort3A_130, %masked_sort3A_131 = tpu.sort %max3A_127, %max3A_127 masked %masked_sort3A_128 {descending = true} : (vector<16xf32>, vector<16xf32>, vector<16xi1>) -> (vector<16xi1>, vector<16xf32>, vector<16xf32>)
        %masked_sort3A_132 = arith.constant dense<true> : vector<16xi1>
        %masked_sort3A_133, %masked_sort3A_134, %masked_sort3A_135 = tpu.sort %min3A_126, %min3A_126 masked %masked_sort3A_132 {descending = true} : (vector<16xf32>, vector<16xf32>, vector<16xi1>) -> (vector<16xi1>, vector<16xf32>, vector<16xf32>)
        %min3A_136 = arith.minimumf %sort3A_104, %masked_sort3A_108 : vector<16xf32>
        %max3A_137 = arith.maximumf %sort3A_104, %masked_sort3A_108 : vector<16xf32>
        %sort3A_138 = arith.constant dense<true> : vector<16xi1>
        %sort3A_139, %sort3A_140, %sort3A_141 = tpu.sort %min3A_136, %min3A_136 masked %sort3A_138 : (vector<16xf32>, vector<16xf32>, vector<16xi1>) -> (vector<16xi1>, vector<16xf32>, vector<16xf32>)
        %sort3A_142 = arith.constant dense<true> : vector<16xi1>
        %sort3A_143, %sort3A_144, %sort3A_145 = tpu.sort %max3A_137, %max3A_137 masked %sort3A_142 : (vector<16xf32>, vector<16xf32>, vector<16xi1>) -> (vector<16xi1>, vector<16xf32>, vector<16xf32>)
        %min3A_146 = arith.minimumf %sort3A_112, %masked_sort3A_116 : vector<16xf32>
        %max3A_147 = arith.maximumf %sort3A_112, %masked_sort3A_116 : vector<16xf32>
        %masked_sort3A_148 = arith.constant dense<true> : vector<16xi1>
        %masked_sort3A_149, %masked_sort3A_150, %masked_sort3A_151 = tpu.sort %max3A_147, %max3A_147 masked %masked_sort3A_148 {descending = true} : (vector<16xf32>, vector<16xf32>, vector<16xi1>) -> (vector<16xi1>, vector<16xf32>, vector<16xf32>)
        %masked_sort3A_152 = arith.constant dense<true> : vector<16xi1>
        %masked_sort3A_153, %masked_sort3A_154, %masked_sort3A_155 = tpu.sort %min3A_146, %min3A_146 masked %masked_sort3A_152 {descending = true} : (vector<16xf32>, vector<16xf32>, vector<16xi1>) -> (vector<16xi1>, vector<16xf32>, vector<16xf32>)
        %min3A_156 = arith.minimumf %sort3A_120, %masked_sort3A_130 : vector<16xf32>
        %max3A_157 = arith.maximumf %sort3A_120, %masked_sort3A_130 : vector<16xf32>
        %min3A_158 = arith.minimumf %sort3A_124, %masked_sort3A_134 : vector<16xf32>
        %max3A_159 = arith.maximumf %sort3A_124, %masked_sort3A_134 : vector<16xf32>
        %min3A_160 = arith.minimumf %min3A_156, %min3A_158 : vector<16xf32>
        %max3A_161 = arith.maximumf %min3A_156, %min3A_158 : vector<16xf32>
        %min3A_162 = arith.minimumf %max3A_157, %max3A_159 : vector<16xf32>
        %max3A_163 = arith.maximumf %max3A_157, %max3A_159 : vector<16xf32>
        %sort3A_164 = arith.constant dense<true> : vector<16xi1>
        %sort3A_165, %sort3A_166, %sort3A_167 = tpu.sort %min3A_160, %min3A_160 masked %sort3A_164 : (vector<16xf32>, vector<16xf32>, vector<16xi1>) -> (vector<16xi1>, vector<16xf32>, vector<16xf32>)
        %sort3A_168 = arith.constant dense<true> : vector<16xi1>
        %sort3A_169, %sort3A_170, %sort3A_171 = tpu.sort %max3A_161, %max3A_161 masked %sort3A_168 : (vector<16xf32>, vector<16xf32>, vector<16xi1>) -> (vector<16xi1>, vector<16xf32>, vector<16xf32>)
        %sort3A_172 = arith.constant dense<true> : vector<16xi1>
        %sort3A_173, %sort3A_174, %sort3A_175 = tpu.sort %min3A_162, %min3A_162 masked %sort3A_172 : (vector<16xf32>, vector<16xf32>, vector<16xi1>) -> (vector<16xi1>, vector<16xf32>, vector<16xf32>)
        %sort3A_176 = arith.constant dense<true> : vector<16xi1>
        %sort3A_177, %sort3A_178, %sort3A_179 = tpu.sort %max3A_163, %max3A_163 masked %sort3A_176 : (vector<16xf32>, vector<16xf32>, vector<16xi1>) -> (vector<16xi1>, vector<16xf32>, vector<16xf32>)
        %min3A_180 = arith.minimumf %sort3A_140, %masked_sort3A_150 : vector<16xf32>
        %max3A_181 = arith.maximumf %sort3A_140, %masked_sort3A_150 : vector<16xf32>
        %min3A_182 = arith.minimumf %sort3A_144, %masked_sort3A_154 : vector<16xf32>
        %max3A_183 = arith.maximumf %sort3A_144, %masked_sort3A_154 : vector<16xf32>
        %min3A_184 = arith.minimumf %max3A_181, %max3A_183 : vector<16xf32>
        %max3A_185 = arith.maximumf %max3A_181, %max3A_183 : vector<16xf32>
        %min3A_186 = arith.minimumf %min3A_180, %min3A_182 : vector<16xf32>
        %max3A_187 = arith.maximumf %min3A_180, %min3A_182 : vector<16xf32>
        %masked_sort3A_188 = arith.constant dense<true> : vector<16xi1>
        %masked_sort3A_189, %masked_sort3A_190, %masked_sort3A_191 = tpu.sort %max3A_185, %max3A_185 masked %masked_sort3A_188 {descending = true} : (vector<16xf32>, vector<16xf32>, vector<16xi1>) -> (vector<16xi1>, vector<16xf32>, vector<16xf32>)
        %masked_sort3A_192 = arith.constant dense<true> : vector<16xi1>
        %masked_sort3A_193, %masked_sort3A_194, %masked_sort3A_195 = tpu.sort %min3A_184, %min3A_184 masked %masked_sort3A_192 {descending = true} : (vector<16xf32>, vector<16xf32>, vector<16xi1>) -> (vector<16xi1>, vector<16xf32>, vector<16xf32>)
        %masked_sort3A_196 = arith.constant dense<true> : vector<16xi1>
        %masked_sort3A_197, %masked_sort3A_198, %masked_sort3A_199 = tpu.sort %max3A_187, %max3A_187 masked %masked_sort3A_196 {descending = true} : (vector<16xf32>, vector<16xf32>, vector<16xi1>) -> (vector<16xi1>, vector<16xf32>, vector<16xf32>)
        %masked_sort3A_200 = arith.constant dense<true> : vector<16xi1>
        %masked_sort3A_201, %masked_sort3A_202, %masked_sort3A_203 = tpu.sort %min3A_186, %min3A_186 masked %masked_sort3A_200 {descending = true} : (vector<16xf32>, vector<16xf32>, vector<16xi1>) -> (vector<16xi1>, vector<16xf32>, vector<16xf32>)
        %min3A_204 = arith.minimumf %sort3A_166, %masked_sort3A_190 : vector<16xf32>
        %max3A_205 = arith.maximumf %sort3A_166, %masked_sort3A_190 : vector<16xf32>
        %min3A_206 = arith.minimumf %sort3A_170, %masked_sort3A_194 : vector<16xf32>
        %max3A_207 = arith.maximumf %sort3A_170, %masked_sort3A_194 : vector<16xf32>
        %min3A_208 = arith.minimumf %sort3A_174, %masked_sort3A_198 : vector<16xf32>
        %max3A_209 = arith.maximumf %sort3A_174, %masked_sort3A_198 : vector<16xf32>
        %min3A_210 = arith.minimumf %sort3A_178, %masked_sort3A_202 : vector<16xf32>
        %max3A_211 = arith.maximumf %sort3A_178, %masked_sort3A_202 : vector<16xf32>
        %min3A_212 = arith.minimumf %min3A_204, %min3A_208 : vector<16xf32>
        %max3A_213 = arith.maximumf %min3A_204, %min3A_208 : vector<16xf32>
        %min3A_214 = arith.minimumf %min3A_206, %min3A_210 : vector<16xf32>
        %max3A_215 = arith.maximumf %min3A_206, %min3A_210 : vector<16xf32>
        %min3A_216 = arith.minimumf %max3A_205, %max3A_209 : vector<16xf32>
        %max3A_217 = arith.maximumf %max3A_205, %max3A_209 : vector<16xf32>
        %min3A_218 = arith.minimumf %max3A_207, %max3A_211 : vector<16xf32>
        %max3A_219 = arith.maximumf %max3A_207, %max3A_211 : vector<16xf32>
        %min3A_220 = arith.minimumf %min3A_212, %min3A_214 : vector<16xf32>
        %max3A_221 = arith.maximumf %min3A_212, %min3A_214 : vector<16xf32>
        %min3A_222 = arith.minimumf %max3A_213, %max3A_215 : vector<16xf32>
        %max3A_223 = arith.maximumf %max3A_213, %max3A_215 : vector<16xf32>
        %min3A_224 = arith.minimumf %min3A_216, %min3A_218 : vector<16xf32>
        %max3A_225 = arith.maximumf %min3A_216, %min3A_218 : vector<16xf32>
        %min3A_226 = arith.minimumf %max3A_217, %max3A_219 : vector<16xf32>
        %max3A_227 = arith.maximumf %max3A_217, %max3A_219 : vector<16xf32>
        %sort3A_228 = arith.constant dense<true> : vector<16xi1>
        %sort3A_229, %sort3A_230, %sort3A_231 = tpu.sort %min3A_220, %min3A_220 masked %sort3A_228 : (vector<16xf32>, vector<16xf32>, vector<16xi1>) -> (vector<16xi1>, vector<16xf32>, vector<16xf32>)
        %sort3A_232 = arith.constant dense<true> : vector<16xi1>
        %sort3A_233, %sort3A_234, %sort3A_235 = tpu.sort %max3A_221, %max3A_221 masked %sort3A_232 : (vector<16xf32>, vector<16xf32>, vector<16xi1>) -> (vector<16xi1>, vector<16xf32>, vector<16xf32>)
        %sort3A_236 = arith.constant dense<true> : vector<16xi1>
        %sort3A_237, %sort3A_238, %sort3A_239 = tpu.sort %min3A_222, %min3A_222 masked %sort3A_236 : (vector<16xf32>, vector<16xf32>, vector<16xi1>) -> (vector<16xi1>, vector<16xf32>, vector<16xf32>)
        %sort3A_240 = arith.constant dense<true> : vector<16xi1>
        %sort3A_241, %sort3A_242, %sort3A_243 = tpu.sort %max3A_223, %max3A_223 masked %sort3A_240 : (vector<16xf32>, vector<16xf32>, vector<16xi1>) -> (vector<16xi1>, vector<16xf32>, vector<16xf32>)
        %sort3A_244 = arith.constant dense<true> : vector<16xi1>
        %sort3A_245, %sort3A_246, %sort3A_247 = tpu.sort %min3A_224, %min3A_224 masked %sort3A_244 : (vector<16xf32>, vector<16xf32>, vector<16xi1>) -> (vector<16xi1>, vector<16xf32>, vector<16xf32>)
        %sort3A_248 = arith.constant dense<true> : vector<16xi1>
        %sort3A_249, %sort3A_250, %sort3A_251 = tpu.sort %max3A_225, %max3A_225 masked %sort3A_248 : (vector<16xf32>, vector<16xf32>, vector<16xi1>) -> (vector<16xi1>, vector<16xf32>, vector<16xf32>)
        %sort3A_252 = arith.constant dense<true> : vector<16xi1>
        %sort3A_253, %sort3A_254, %sort3A_255 = tpu.sort %min3A_226, %min3A_226 masked %sort3A_252 : (vector<16xf32>, vector<16xf32>, vector<16xi1>) -> (vector<16xi1>, vector<16xf32>, vector<16xf32>)
        %sort3A_256 = arith.constant dense<true> : vector<16xi1>
        %sort3A_257, %sort3A_258, %sort3A_259 = tpu.sort %max3A_227, %max3A_227 masked %sort3A_256 : (vector<16xf32>, vector<16xf32>, vector<16xi1>) -> (vector<16xi1>, vector<16xf32>, vector<16xf32>)
        %mul3A_260 = arith.constant 128 : i32
        %mul3A_261 = arith.muli %add3A_25, %mul3A_260 : i32
        %add3A_262 = arith.constant 0 : i32
        %add3A_263 = arith.addi %mul3A_261, %add3A_262 : i32
        %swap3A = arith.index_cast %add3A_263 : i32 to index
        %swap3A_264 = tpu.vector_load %arg7[%swap3A] {strides = array<i32>} : memref<8192xf32, #tpu.memory_space<vmem>>, vector<16xf32>,
        tpu.vector_store %arg7[%swap3A], %sort3A_230 {strides = array<i32>} : memref<8192xf32, #tpu.memory_space<vmem>>, vector<16xf32>,
        %mul3A_265 = arith.constant 128 : i32
        %mul3A_266 = arith.muli %add3A_25, %mul3A_265 : i32
        %add3A_267 = arith.constant 16 : i32
        %add3A_268 = arith.addi %mul3A_266, %add3A_267 : i32
        %swap3A_269 = arith.index_cast %add3A_268 : i32 to index
        %swap3A_270 = tpu.vector_load %arg7[%swap3A_269] {strides = array<i32>} : memref<8192xf32, #tpu.memory_space<vmem>>, vector<16xf32>,
        tpu.vector_store %arg7[%swap3A_269], %sort3A_234 {strides = array<i32>} : memref<8192xf32, #tpu.memory_space<vmem>>, vector<16xf32>,
        %mul3A_271 = arith.constant 128 : i32
        %mul3A_272 = arith.muli %add3A_25, %mul3A_271 : i32
        %add3A_273 = arith.constant 32 : i32
        %add3A_274 = arith.addi %mul3A_272, %add3A_273 : i32
        %swap3A_275 = arith.index_cast %add3A_274 : i32 to index
        %swap3A_276 = tpu.vector_load %arg7[%swap3A_275] {strides = array<i32>} : memref<8192xf32, #tpu.memory_space<vmem>>, vector<16xf32>,
        tpu.vector_store %arg7[%swap3A_275], %sort3A_238 {strides = array<i32>} : memref<8192xf32, #tpu.memory_space<vmem>>, vector<16xf32>,
        %mul3A_277 = arith.constant 128 : i32
        %mul3A_278 = arith.muli %add3A_25, %mul3A_277 : i32
        %add3A_279 = arith.constant 48 : i32
        %add3A_280 = arith.addi %mul3A_278, %add3A_279 : i32
        %swap3A_281 = arith.index_cast %add3A_280 : i32 to index
        %swap3A_282 = tpu.vector_load %arg7[%swap3A_281] {strides = array<i32>} : memref<8192xf32, #tpu.memory_space<vmem>>, vector<16xf32>,
        tpu.vector_store %arg7[%swap3A_281], %sort3A_242 {strides = array<i32>} : memref<8192xf32, #tpu.memory_space<vmem>>, vector<16xf32>,
        %mul3A_283 = arith.constant 128 : i32
        %mul3A_284 = arith.muli %add3A_25, %mul3A_283 : i32
        %add3A_285 = arith.constant 64 : i32
        %add3A_286 = arith.addi %mul3A_284, %add3A_285 : i32
        %swap3A_287 = arith.index_cast %add3A_286 : i32 to index
        %swap3A_288 = tpu.vector_load %arg7[%swap3A_287] {strides = array<i32>} : memref<8192xf32, #tpu.memory_space<vmem>>, vector<16xf32>,
        tpu.vector_store %arg7[%swap3A_287], %sort3A_246 {strides = array<i32>} : memref<8192xf32, #tpu.memory_space<vmem>>, vector<16xf32>,
        %mul3A_289 = arith.constant 128 : i32
        %mul3A_290 = arith.muli %add3A_25, %mul3A_289 : i32
        %add3A_291 = arith.constant 80 : i32
        %add3A_292 = arith.addi %mul3A_290, %add3A_291 : i32
        %swap3A_293 = arith.index_cast %add3A_292 : i32 to index
        %swap3A_294 = tpu.vector_load %arg7[%swap3A_293] {strides = array<i32>} : memref<8192xf32, #tpu.memory_space<vmem>>, vector<16xf32>,
        tpu.vector_store %arg7[%swap3A_293], %sort3A_250 {strides = array<i32>} : memref<8192xf32, #tpu.memory_space<vmem>>, vector<16xf32>,
        %mul3A_295 = arith.constant 128 : i32
        %mul3A_296 = arith.muli %add3A_25, %mul3A_295 : i32
        %add3A_297 = arith.constant 96 : i32
        %add3A_298 = arith.addi %mul3A_296, %add3A_297 : i32
        %swap3A_299 = arith.index_cast %add3A_298 : i32 to index
        %swap3A_300 = tpu.vector_load %arg7[%swap3A_299] {strides = array<i32>} : memref<8192xf32, #tpu.memory_space<vmem>>, vector<16xf32>,
        tpu.vector_store %arg7[%swap3A_299], %sort3A_254 {strides = array<i32>} : memref<8192xf32, #tpu.memory_space<vmem>>, vector<16xf32>,
        %mul3A_301 = arith.constant 128 : i32
        %mul3A_302 = arith.muli %add3A_25, %mul3A_301 : i32
        %add3A_303 = arith.constant 112 : i32
        %add3A_304 = arith.addi %mul3A_302, %add3A_303 : i32
        %swap3A_305 = arith.index_cast %add3A_304 : i32 to index
        %swap3A_306 = tpu.vector_load %arg7[%swap3A_305] {strides = array<i32>} : memref<8192xf32, #tpu.memory_space<vmem>>, vector<16xf32>,
        tpu.vector_store %arg7[%swap3A_305], %sort3A_258 {strides = array<i32>} : memref<8192xf32, #tpu.memory_space<vmem>>, vector<16xf32>,
      }
      %scan3A_20 = arith.constant 64 : i32
      "tpu.region"() ({
        %run_scoped3A = tpu.sem_alloc : memref<!tpu.dma_semaphore, #tpu.memory_space<semaphore_mem>>
        %dma_start3A = arith.constant 0 : i32
        %dma_start3A_21 = tpu.memref_slice %arg5[%add3A_15, %dma_start3A] : memref<4096x8192xf32, #tpu.memory_space<hbm>> -> memref<1x8192xf32, #tpu.memory_space<hbm>>
        %dma_start3A_22 = tpu.memref_squeeze %dma_start3A_21 : memref<1x8192xf32, #tpu.memory_space<hbm>> -> memref<8192xf32, #tpu.memory_space<hbm>>
        %dma_start3A_23 = arith.constant 0 : i32
        %dma_start3A_24 = tpu.memref_slice %arg5[%add3A_15, %dma_start3A_23] : memref<4096x8192xf32, #tpu.memory_space<hbm>> -> memref<1x8192xf32, #tpu.memory_space<hbm>>
        %dma_start3A_25 = tpu.memref_squeeze %dma_start3A_24 : memref<1x8192xf32, #tpu.memory_space<hbm>> -> memref<8192xf32, #tpu.memory_space<hbm>>
        tpu.enqueue_dma source(%arg7 : memref<8192xf32, #tpu.memory_space<vmem>>) target(%dma_start3A_25 : memref<8192xf32, #tpu.memory_space<hbm>>) target_semaphore(%run_scoped3A : memref<!tpu.dma_semaphore, #tpu.memory_space<semaphore_mem>>)
        %dma_wait3A = arith.constant 0 : i32
        %dma_wait3A_26 = tpu.memref_slice %arg5[%add3A_15, %dma_wait3A] : memref<4096x8192xf32, #tpu.memory_space<hbm>> -> memref<1x8192xf32, #tpu.memory_space<hbm>>
        %dma_wait3A_27 = tpu.memref_squeeze %dma_wait3A_26 : memref<1x8192xf32, #tpu.memory_space<hbm>> -> memref<8192xf32, #tpu.memory_space<hbm>>
        %dma_wait3A_28 = arith.constant 0 : i32
        %dma_wait3A_29 = tpu.memref_slice %arg5[%add3A_15, %dma_wait3A_28] : memref<4096x8192xf32, #tpu.memory_space<hbm>> -> memref<1x8192xf32, #tpu.memory_space<hbm>>
        %dma_wait3A_30 = tpu.memref_squeeze %dma_wait3A_29 : memref<1x8192xf32, #tpu.memory_space<hbm>> -> memref<8192xf32, #tpu.memory_space<hbm>>
        tpu.wait_dma2 semaphore(%run_scoped3A : memref<!tpu.dma_semaphore, #tpu.memory_space<semaphore_mem>>) src(%arg7 : memref<8192xf32, #tpu.memory_space<vmem>>) dst(%dma_wait3A_30 : memref<8192xf32, #tpu.memory_space<hbm>>)
        tpu.yield
      }) : () -> ()
    }
    %scan3A_9 = arith.constant 128 : i32
    return
  }
}

</mosaic_0001>

<sc_bundles>
// kernel: kernel.3.cloned.1.call-start
scs
__scs_entry_jumppad:
0x0: {  	(pc) =	sbr.rel $0x88, $3  }
0x1: {  	(tag) =	ssettag $0x0;
	lr =	simm.s32 $0x1  }
0x2: {  	[smem:$0x3F9E] =	sst lr;
	_ =	strace $0xD0000000  }
0x3: {  	_ = 	snop  }
0x4: {  	_ = 	snop  }
0x5: {  	_ = 	snop  }
0x6: {  	_ = 	snop  }
0x7: {  	_ = 	snop  }
__scs_overlays_trampoline_lowered:
0x8: {  	[smem:$0x3FAD] =	sst s0  }
0x9: {  	[smem:$0x3FAE] =	sst s1  }
0xa: {  	[smem:$0x3FAF] =	sst s2  }
0xb: {  	[smem:$0x3FB0] =	sst s3  }
0xc: {  	[smem:$0x3FB1] =	sst s4  }
0xd: {  	[smem:$0x3FB2] =	sst s5  }
0xe: {  	[smem:$0x3FB3] =	sst s6  }
0xf: {  	[smem:$0x3FB4] =	sst s7  }
0x10: {  	[smem:$0x3FB5] =	sst s8  }
0x11: {  	[smem:$0x3FB6] =	sst s9;
	s0 =	simm.s32 @!p0 $0x0  }
0x12: {  	s1 =	sld [smem:$0x3F9C];
	s0 =	simm.s32 @p0 $0x1  }
0x13: {  	[smem:$0x3FB7] =	sst s0;
	s0 =	simm.s32 @!p1 $0x0  }
0x14: {  	s2 =	sld [smem:$0x3F9B];
	s0 =	simm.s32 @p1 $0x1  }
0x15: {  	[smem:$0x3FB8] =	sst s0;
	s0 =	simm.s32 @!p2 $0x0  }
0x16: {  	s3 =	sld [smem:$0x3FDB];
	s0 =	simm.s32 @p2 $0x1  }
0x17: {  	s4 =	simm.s32 $0x1BF5;
	[smem:$0x3FBA] =	sst s0  }
0x18: {  	s0 =	sld [smem:$0x3F9D];
	_ =	swait.ge [sflag:s4], $0x0  }
0x19: {  	s7 =	sld [smem:$0x3F9E]  }
0x1a: {  	s8 =	sadd.s32 $0xFFFFE003, lr  }
0x1b: {  	s9 =	sadd.s32 $0xFFFFFEF7, lr;
	s5 =	simm.s32 $0xFFFFFFFF;
	p2 =	slt.u32 s8, $0xFFFFF086  }
0x1c: {  	p1 =	slt.u32 s9, $0xF7A;
	s5 =	simm.s32 @!p2 $0x0  }
0x1d: {  	s5 =	simm.s32 @p1 $0x1;
	p0 =	seq.s32 s7, s2  }
0x1e: {  	s7 =	smul.u32 @!p0 $0xF7A, s2;
	p2 =	seq.s32 @!p0 s5, $0x0  }
0x1f: {  	s9 =	smul.u32 $0xF7A, s1;
	s8 =	simm.s32 @!p0 $0x1BF5;
	p2 =	por !p2, p0  }
0x20: {  	[sflag:s8] =	ssyncset.s32 @!p0 $0xFFFFF086;
	s6 =	sadd.s32 @!p0 s3, s7;
	s7 =	simm.s32 @!p0 $0x108  }
0x21: {  	s3 =	sadd.s32 s3, s9;
	s6 =	sadd.s32 @!p0 $0x88, s6;
	s7 =	simm.s32 @p2 $0x1082  }
0x22: {  	[simem:s7], [sflag:s8] =	dma.local @!p0 [hbm:s6], $0xF7A  }
0x23: {  	s9 =	sor.u32 $0xD0000000, s2;
	s6 =	simm.s32 $0x108;
	_ =	swait.ge @!p0 [sflag:s8], $0x0  }
0x24: {  	s3 =	sadd.s32 $0x88, s3;
	s6 =	simm.s32 @!p1 $0x1082;
	[sflag:s4] =	ssyncset.s32 $0xFFFFF086  }
0x25: {  	[simem:s6], [sflag:s4] =	dma.local [hbm:s3], $0xF7A  }
0x26: {  	[smem:$0x3F9E] =	sst s1;
	(tag) =	ssettag s2;
	_ =	strace s9  }
0x27: {  	s1 =	sld [smem:$0x3FAE]  }
0x28: {  	s2 =	sld [smem:$0x3FAF]  }
0x29: {  	s4 =	sld [smem:$0x3FB1]  }
0x2a: {  	p0 =	seq.s32 s5, $0x0;
	s5 =	sld [smem:$0x3FB2]  }
0x2b: {  	s6 =	sld [smem:$0x3FB3]  }
0x2c: {  	s7 =	sld [smem:$0x3FB4]  }
0x2d: {  	s3 =	simm.s32 $0x108;
	s8 =	sld [smem:$0x3FB5]  }
0x2e: {  	s3 =	simm.s32 @!p0 $0x1082;
	s9 =	sld [smem:$0x3FB6]  }
0x2f: {  	lr =	sadd.s32 s0, s3;
	s0 =	sld [smem:$0x3FAD]  }
0x30: {  	s3 =	sld [smem:$0x3FB0]  }
0x31: {  	[smem:$0x3FB9] =	sst s10  }
0x32: {  	s10 =	sld [smem:$0x3FB7];
	_ =	sdelay $0x3  }
0x33: {  	p0 =	seq.s32 s10, $0x1;
	s10 =	sld [smem:$0x3FB9];
	_ =	sdelay $0x3  }
0x34: {  	[smem:$0x3FB9] =	sst s10  }
0x35: {  	s10 =	sld [smem:$0x3FB8];
	_ =	sdelay $0x3  }
0x36: {  	p1 =	seq.s32 s10, $0x1;
	s10 =	sld [smem:$0x3FB9];
	_ =	sdelay $0x3  }
0x37: {  	[smem:$0x3FB9] =	sst s10  }
0x38: {  	s10 =	sld [smem:$0x3FBA]  }
0x39: {  	_ = 	snop;
	(pc) =	sbr.ind lr, $3  }
0x3a: {  	_ = 	snop  }
0x3b: {  	_ = 	snop  }
0x3c: {  	p2 =	seq.s32 s10, $0x1;
	s10 =	sld [smem:$0x3FB9]  }
0x3d: {  	_ =	shalt  }
0x3e: {  	_ =	shalt  }
0x3f: {  	_ =	shalt  }
0x40: {  	_ =	shalt  }
0x41: {  	_ =	shalt  }
0x42: {  	_ =	shalt  }
0x43: {  	_ =	shalt  }
0x44: {  	_ =	shalt  }
0x45: {  	_ =	shalt  }
0x46: {  	_ =	shalt  }
0x47: {  	_ =	shalt  }
0x48: {  	_ =	shalt  }
0x49: {  	_ =	shalt  }
0x4a: {  	_ =	shalt  }
0x4b: {  	_ =	shalt  }
0x4c: {  	_ =	shalt  }
0x4d: {  	_ =	shalt  }
0x4e: {  	_ =	shalt  }
0x4f: {  	_ =	shalt  }
0x50: {  	_ =	shalt  }
0x51: {  	_ =	shalt  }
0x52: {  	_ =	shalt  }
0x53: {  	_ =	shalt  }
0x54: {  	_ =	shalt  }
0x55: {  	_ =	shalt  }
0x56: {  	_ =	shalt  }
0x57: {  	_ =	shalt  }
0x58: {  	_ =	shalt  }
0x59: {  	_ =	shalt  }
0x5a: {  	_ =	shalt  }
0x5b: {  	_ =	shalt  }
0x5c: {  	_ =	shalt  }
0x5d: {  	_ =	shalt  }
0x5e: {  	_ =	shalt  }
0x5f: {  	_ =	shalt  }
0x60: {  	_ =	shalt  }
0x61: {  	_ =	shalt  }
0x62: {  	_ =	shalt  }
0x63: {  	_ =	shalt  }
0x64: {  	_ =	shalt  }
0x65: {  	_ =	shalt  }
0x66: {  	_ =	shalt  }
0x67: {  	_ =	shalt  }
0x68: {  	_ =	shalt  }
0x69: {  	_ =	shalt  }
0x6a: {  	_ =	shalt  }
0x6b: {  	_ =	shalt  }
0x6c: {  	_ =	shalt  }
0x6d: {  	_ =	shalt  }
0x6e: {  	_ =	shalt  }
0x6f: {  	_ =	shalt  }
0x70: {  	_ =	shalt  }
0x71: {  	_ =	shalt  }
0x72: {  	_ =	shalt  }
0x73: {  	_ =	shalt  }
0x74: {  	_ =	shalt  }
0x75: {  	_ =	shalt  }
0x76: {  	_ =	shalt  }
0x77: {  	_ =	shalt  }
0x78: {  	_ =	shalt  }
0x79: {  	_ =	shalt  }
0x7a: {  	_ =	shalt  }
0x7b: {  	_ =	shalt  }
0x7c: {  	_ =	shalt  }
0x7d: {  	_ =	shalt  }
0x7e: {  	_ =	shalt  }
0x7f: {  	_ =	shalt  }
0x80: {  	_ =	shalt  }
0x81: {  	_ =	shalt  }
0x82: {  	_ =	shalt  }
0x83: {  	_ =	shalt  }
0x84: {  	_ =	shalt  }
0x85: {  	_ =	shalt  }
0x86: {  	_ =	shalt  }
0x87: {  	_ =	shalt  }
.Lfunc_end0:
.L_simem_size_0:
called_computation_lowered:
.L_overlay_start_0:
0x88: {  	s2 =	sld [smem:$0x3FD9]  }
0x89: {  	s3 =	sld [smem:$0x3FFE];
	_ =	sdelay $0x1  }
0x8a: {  	s1 =	srdreg.scid  }
0x8b: {  	s0 =	sand.u32 $0x1, s1  }
0x8c: {  	s17 =	sshll.u32 s0, $0xA;
	s2 =	sadd.s32 s3, s2  }
0x8d: {  	s2 =	sadd.s32 s2, s17  }
0x8e: {  	[smem:$0x3FC5] =	sst s2  }
0x8f: {  	_ = 	snop  }
0x90: {  	s2 =	sld [smem:$0x3FC9]  }
0x91: {  	s18 =	sld [smem:$0x3FD0];
	(tm) =	ssettm $0x1  }
0x92: {  	s4 =	sld [smem:$0x3FFB];
	_ =	sdelay $0x3  }
0x93: {  	_ =	strace s4  }
0x94: {  	s4 =	sld [smem:$0x3FFC];
	_ =	sdelay $0x3  }
0x95: {  	_ =	strace s4  }
0x96: {  	s4 =	sld [smem:$0x3FFD];
	_ =	sdelay $0x3  }
0x97: {  	_ =	strace s4  }
0x98: {  	_ =	strace $0x8FFFFFFF  }
0x99: {  	s19 =	sld [smem:$0x3FDB];
	_ =	sdelay $0x1  }
0x9a: {  	s5 =	simm.s32 $_scs_section_size  }
0x9b: {  	s6 =	simm.s32 $_size__tile_overlayer_lowered;
	s7 =	simm.s32 $_tile_overlayer_lowered  }
0x9c: {  	s22 =	simm.s32 $0x1BFF;
	s21 =	sshll.u32 s7, $0x1;
	s4 =	sadd.s32 s5, s19  }
0x9d: {  	s8 =	simm.s32 $0x0;
	s20 =	sshll.u32 s6, $0x1;
	s6 =	sadd.s32 s21, s4  }
0x9e: {  	[timem:s8], [sflag:s22] =	dma.local [hbm:s6], s20  }
0x9f: {  	_ =	swait.ge [sflag:s22], s20  }
0xa0: {  	s5 =	ssub.s32 $0x0, s20;
	[sflag:s22] =	ssyncset.done $0x0  }
0xa1: {  	[sflag:s22] =	ssyncadd.s32 s5;
	_ =	sdelay $0x1  }
0xa2: {  	s23 =	simm.s32 $0x1B8B  }
0xa3: {  	_ =	swait.ge [sflag:s23], $0x1  }
0xa4: {  	[sflag:s23] =	ssyncset.done $0x0  }
0xa5: {  	s25 =	simm.s32 $0x1B8E;
	s24 =	sld [smem:$0x3FFE];
	[sflag:s23] =	ssyncadd.s32 $0xFFFFFFFF  }
0xa6: {  	s26 =	simm.s32 $execute0_lowered;
	[smem:$0x3FD2] =	sst s25  }
0xa7: {  	s6 =	sshll.u32 s26, $0x1;
	_ =	strace $0x80000046;
	[dreg:$0x1] =	wrdreg $0xFFFFFFFF  }
0xa8: {  	s28 =	simm.s32 $_size_execute0_lowered;
	s4 =	sadd.s32 s4, s6;
	[dreg:$0x0] =	wrdreg $0x0  }
0xa9: {  	s6 =	sshll.u32 s28, $0x1;
	[dreg:$0x2] =	wrdreg s4  }
0xaa: {  	[dreg:$0x3] =	wrdreg s6  }
0xab: {  	[dreg:$0x4] =	wrdreg $0xC0  }
0xac: {  	_ =	task [dreg:s8], $0x5FFFF  }
0xad: {  	[dreg:$0x1] =	wrdreg $0xFFFFFFFF  }
0xae: {  	[dreg:$0x0] =	wrdreg $0x60  }
0xaf: {  	[dreg:$0x2] =	wrdreg s2  }
0xb0: {  	[dreg:$0x3] =	wrdreg s24  }
0xb1: {  	[dreg:$0x4] =	wrdreg s18  }
0xb2: {  	[dreg:$0x5] =	wrdreg $0x9  }
0xb3: {  	_ =	task.clear_ibuf [dreg:s8], $0x6FFFF;
	_ =	strace $0x90000046  }
0xb4: {  	s29 =	simm.s32 $0x9;
	_ =	strace $0x80000048  }
0xb5: {  	_ =	swait.ge [sflag:s29], $0x1  }
0xb6: {  	[sflag:s29] =	ssyncadd.s32 $0xFFFFFFFF  }
0xb7: {  	_ =	strace $0x90000048  }
0xb8: {  	_ =	sfence  }
0xb9: {  	s30 =	sld [smem:$0x0];
	_ =	sdelay $0x2  }
0xba: {  	s31 =	sshll.u32 s1, $0xD;
	s1 =	sshrl.u32 s1, $0x2  }
0xbb: {  	s3 =	sand.u32 $0x4000, s31;
	s1 =	sadd.s32 s1, s30  }
0xbc: {  	s0 =	sor.u32 s3, s0;
	s1 =	sshll.u32 s1, $0x11  }
0xbd: {  	s0 =	sor.u32 s1, s0  }
0xbe: {  	s0 =	sadd.s32 $0x8F2B, s0  }
0xbf: {  	[sflag:s0] =	ssyncadd.remote.s32 $0x1  }
0xc0: {  	_ =	sfence.sel $0xFFFF  }
0xc1: {  	[dreg:$0x0] =	wrdreg $0xFFFFFFFF;
	(pc) =	sbr.abs _section_cstart, $3  }
0xc2: {  	[dreg:$0x1] =	wrdreg $0xFFFFFFFF  }
0xc3: {  	_ =	task.clear_ibuf [dreg:s8], $0x2FFFF;
	_ =	strace $0x9FFFFFFF  }
0xc4: {  	(tm) =	ssettm $0x7FFFFFFF  }
0xc5: {  	_ =	shalt  }
tec
execute0_lowered:
.L_overlay_start_1:
0x0: {  	(tag) =	ssettag $0x1  }
0x1: {  	s1 =	rddreg [dreg:$0x0]  }
0x2: {  	s4 =	rddreg [dreg:$0x1]  }
0x3: {  	s2 =	rddreg [dreg:$0x2]  }
0x4: {  	s0 =	rddreg [dreg:$0x3];
	s3 =	simm.s32 $0x0  }
0x5: {  	s5 =	srdreg.scid;
	s10 =	simm.s32 $0x1;
	s11 =	simm.s32 $0x4400  }
0x6: {  	s12 =	simm.s32 $0x80;
	s13 =	simm.s32 $0x400;
	s14 =	simm.s32 $0x2000  }
0x7: {  	s15 =	simm.s32 $0x0;
	[smem:$0x7FF] =	sst s3;
	s7 =	sand.u32 $0x1, s5  }
0x8: {  	s5 =	sadd.s32 $0x400, s4;
	s6 =	sadd.s32 $0x600, s4;
	s8 =	ssub.s32 $0x2, s7  }
0x9: {  	s4 =	stileid.u32;
	_ =	strace $0x80000047;
	s9 =	sshrl.u32 s8, $0x1  }
0xa: {  	v0 =	vlaneseq.u32;
	s31 =	sshll.u32 s4, $0x8;
	s7 =	sshll.u32 s7, $0x7;
	s8 =	ssub.s32 s8, s9  }
0xb: {  	v0 =	vmul.u32 $0x40, v0;
	s7 =	sor.u32 s7, s31;
	s9 =	simm.s32 $0x4000;
	s8 =	smax.u32 s8, $0x1  }
.LBB2_1:
0xc: {  	[tilespmem:s9], [sflag:$0x1] =	stream.linear.gather [hbm4b:s5+s3], $0x400, $0x38;
	[tilespmem:$0x4800] =	vst v63  }
0xd: {  	_ =	swait.ge [sflag:s10], $0x400  }
0xe: {  	[sflag:s10] =	ssyncset.done $0x0  }
0xf: {  	[sflag:s10] =	ssyncadd.s32 $0xFFFFFC00  }
0x10: {  	[tilespmem:s11], [sflag:$0x1] =	stream.linear.gather [hbm4b:s6+s3], $0x400, $0x38;
	[tilespmem:$0x4800] =	vst v63  }
0x11: {  	_ =	swait.ge [sflag:s10], $0x400  }
0x12: {  	[sflag:s10] =	ssyncset.done $0x0  }
0x13: {  	s16 =	simm.s32 $0x0;
	[sflag:s10] =	ssyncadd.s32 $0xFFFFFC00  }
.LBB2_2:
0x14: {  	s17 =	sadd.s32 s7, s16  }
0x15: {  	s18 =	sshll.u32 s16, $0x4;
	s17 =	sshll.u32 s17, $0xA  }
0x16: {  	s18 =	sand.u32 $0x70, s18;
	s17 =	sand.u32 $0x3FE000, s17  }
0x17: {  	s29 =	simm.s32 $0x400;
	s17 =	sor.u32 s18, s17  }
0x18: {  	s20 =	simm.s32 $0x0;
	v1 =	vor.u32 s29, v0;
	s19 =	sadd.s32 s1, s17  }
0x19: {  	v2 =	vor.u32 s20, v0;
	[tilespmem:s20], [sflag:$0x1] =	stream.strided.gather [hbm4b:s19+s12], $0x2000, s13, s12, $0x38;
	[tilespmem:$0x4800] =	vst v63  }
0x1a: {  	s30 =	simm.s32 $0x800;
	_ =	swait.ge [sflag:s10], $0x2000  }
0x1b: {  	v3 =	vor.u32 s30, v0;
	[sflag:s10] =	ssyncset.done $0x0  }
0x1c: {  	s31 =	simm.s32 $0xC00;
	[sflag:s10] =	ssyncadd.s32 $0xFFFFE000  }
0x1d: {  	v4 =	vor.u32 s31, v0;
	s19 =	simm.s32 $0x1000;
	v1 =	vld.idx.msk [tilespmem:v1+s3+$0x0], $0xffff  }
0x1e: {  	s21 =	simm.s32 $0x1400;
	s20 =	simm.s32 $0x4000;
	v5 =	vor.u32 s19, v0;
	v2 =	vld.idx.msk [tilespmem:v2+s3+$0x0], $0xffff  }
0x1f: {  	s22 =	simm.s32 $0x1800;
	v6 =	vor.u32 s21, v0;
	v7 =	vld [tilespmem:s20+$0x0]  }
0x20: {  	s23 =	simm.s32 $0x4400;
	s24 =	simm.s32 $0x1C00;
	v8 =	vor.u32 s22, v0;
	v3 =	vld.idx.msk [tilespmem:v3+s3+$0x0], $0xffff  }
0x21: {  	v10 =	vor.u32 s24, v0;
	v9 =	vld [tilespmem:s23+$0x0]  }
0x22: {  	v4 =	vld.idx.msk [tilespmem:v4+s3+$0x0], $0xffff  }
0x23: {  	v5 =	vld.idx.msk [tilespmem:v5+s3+$0x0], $0xffff  }
0x24: {  	v6 =	vld.idx.msk [tilespmem:v6+s3+$0x0], $0xffff;
	v2 =	vmul.f32 v2, v7  }
0x25: {  	v8 =	vld.idx.msk [tilespmem:v8+s3+$0x0], $0xffff;
	v1 =	vmul.f32 v1, v7  }
0x26: {  	v10 =	vld.idx.msk [tilespmem:v10+s3+$0x0], $0xffff;
	v3 =	vmul.f32 v3, v7;
	v2 =	vadd.f32 v2, v9  }
0x27: {  	v4 =	vmul.f32 v4, v7;
	v1 =	vadd.f32 v1, v9  }
0x28: {  	v3 =	vadd.f32 v3, v9;
	v5 =	vmul.f32 v5, v7;
	(xrf1) =	vsort.ascd.msk.f32 $0xffff, v2, v2  }
0x29: {  	v2 =	vadd.f32 v4, v9;
	v4 =	vmul.f32 v6, v7;
	(xrf1) =	vsort.dscd.msk.f32 $0xffff, v1, v1  }
0x2a: {  	v1 =	vadd.f32 v5, v9;
	v5 =	vmul.f32 v8, v7;
	(xrf1) =	vsort.ascd.msk.f32 $0xffff, v3, v3  }
0x2b: {  	v3 =	vadd.f32 v4, v9;
	v4 =	vmul.f32 v10, v7;
	(xrf1) =	vsort.dscd.msk.f32 $0xffff, v2, v2  }
0x2c: {  	v2 =	vadd.f32 v5, v9;
	(xrf1) =	vsort.ascd.msk.f32 $0xffff, v1, v1  }
0x2d: {  	v1 =	vadd.f32 v4, v9;
	(xrf1) =	vsort.dscd.msk.f32 $0xffff, v3, v3  }
0x2e: {  	(xrf1) =	vsort.ascd.msk.f32 $0xffff, v2, v2  }
0x2f: {  	(xrf1) =	vsort.dscd.msk.f32 $0xffff, v1, v1;
	_ =	sdelay $0x6  }
0x30: {  	v1, _, _ =	vpop (xrf1)  }
0x31: {  	v2, _, _ =	vpop (xrf1)  }
0x32: {  	v3 =	vmin.f32 v1, v2;
	v4, _, _ =	vpop (xrf1)  }
0x33: {  	v1 =	vmax.f32 v1, v2;
	v2, _, _ =	vpop (xrf1);
	(xrf1) =	vsort.ascd.msk.f32 $0xffff, v3, v3  }
0x34: {  	v3 =	vmax.f32 v4, v2;
	v5, _, _ =	vpop (xrf1);
	(xrf1) =	vsort.ascd.msk.f32 $0xffff, v1, v1  }
0x35: {  	v1 =	vmin.f32 v4, v2;
	v2, _, _ =	vpop (xrf1);
	(xrf1) =	vsort.dscd.msk.f32 $0xffff, v3, v3  }
0x36: {  	v3 =	vmin.f32 v5, v2;
	v4, _, _ =	vpop (xrf1);
	(xrf1) =	vsort.dscd.msk.f32 $0xffff, v1, v1  }
0x37: {  	v1 =	vmax.f32 v5, v2;
	v2, _, _ =	vpop (xrf1);
	(xrf1) =	vsort.ascd.msk.f32 $0xffff, v3, v3  }
0x38: {  	v3 =	vmax.f32 v4, v2;
	(xrf1) =	vsort.ascd.msk.f32 $0xffff, v1, v1  }
0x39: {  	v1 =	vmin.f32 v4, v2;
	(xrf1) =	vsort.dscd.msk.f32 $0xffff, v3, v3  }
0x3a: {  	(xrf1) =	vsort.dscd.msk.f32 $0xffff, v1, v1;
	_ =	sdelay $0x6  }
0x3b: {  	v1, _, _ =	vpop (xrf1)  }
0x3c: {  	v2, _, _ =	vpop (xrf1)  }
0x3d: {  	v3, _, _ =	vpop (xrf1)  }
0x3e: {  	v4, _, _ =	vpop (xrf1);
	v5 =	vmin.f32 v1, v3  }
0x3f: {  	v6 =	vmin.f32 v2, v4;
	v7, _, _ =	vpop (xrf1)  }
0x40: {  	v1 =	vmax.f32 v1, v3;
	v3 =	vmin.f32 v5, v6;
	v8, _, _ =	vpop (xrf1)  }
0x41: {  	v2 =	vmax.f32 v2, v4;
	v4 =	vmax.f32 v5, v6;
	v5, _, _ =	vpop (xrf1);
	(xrf1) =	vsort.ascd.msk.f32 $0xffff, v3, v3  }
0x42: {  	v3 =	vmin.f32 v1, v2;
	v1 =	vmax.f32 v1, v2;
	v9, _, _ =	vpop (xrf1);
	(xrf1) =	vsort.ascd.msk.f32 $0xffff, v4, v4  }
0x43: {  	v6 =	vmax.f32 v7, v5;
	v2 =	vmax.f32 v8, v9;
	(xrf1) =	vsort.ascd.msk.f32 $0xffff, v3, v3  }
0x44: {  	v3 =	vmin.f32 v7, v5;
	v4 =	vmax.f32 v6, v2;
	(xrf1) =	vsort.ascd.msk.f32 $0xffff, v1, v1  }
0x45: {  	v1 =	vmin.f32 v8, v9;
	v2 =	vmin.f32 v6, v2;
	(xrf1) =	vsort.dscd.msk.f32 $0xffff, v4, v4  }
0x46: {  	v4 =	vmax.f32 v3, v1;
	(xrf1) =	vsort.dscd.msk.f32 $0xffff, v2, v2  }
0x47: {  	v1 =	vmin.f32 v3, v1;
	(xrf1) =	vsort.dscd.msk.f32 $0xffff, v4, v4  }
0x48: {  	(xrf1) =	vsort.dscd.msk.f32 $0xffff, v1, v1;
	_ =	sdelay $0x6  }
0x49: {  	v1, _, _ =	vpop (xrf1)  }
0x4a: {  	v2, _, _ =	vpop (xrf1)  }
0x4b: {  	v3, _, _ =	vpop (xrf1)  }
0x4c: {  	v4, _, _ =	vpop (xrf1)  }
0x4d: {  	v5, _, _ =	vpop (xrf1)  }
0x4e: {  	v6, _, _ =	vpop (xrf1)  }
0x4f: {  	v7 =	vmin.f32 v1, v5;
	v8, _, _ =	vpop (xrf1)  }
0x50: {  	v1 =	vmax.f32 v1, v5;
	v9 =	vmin.f32 v2, v6;
	v2 =	vmax.f32 v2, v6;
	v10, _, _ =	vpop (xrf1)  }
0x51: {  	v5 =	vmin.f32 v3, v8;
	v3 =	vmax.f32 v3, v8;
	v6 =	vmax.f32 v4, v10  }
0x52: {  	v4 =	vmin.f32 v4, v10;
	v8 =	vmax.f32 v1, v3;
	v10 =	vmax.f32 v2, v6  }
0x53: {  	v11 =	vmin.f32 v7, v5;
	v13 =	vmin.f32 v9, v4;
	v12 =	vmax.f32 v8, v10  }
0x54: {  	v5 =	vmax.f32 v7, v5;
	v7 =	vmin.f32 v11, v13;
	(xrf1) =	vsort.ascd.msk.f32 $0xffff, v12, v12  }
0x55: {  	v4 =	vmax.f32 v9, v4;
	v9 =	vmax.f32 v11, v13;
	(xrf1) =	vsort.ascd.msk.f32 $0xffff, v7, v7  }
0x56: {  	v1 =	vmin.f32 v1, v3;
	v3 =	vmin.f32 v5, v4;
	(xrf1) =	vsort.ascd.msk.f32 $0xffff, v9, v9  }
0x57: {  	v2 =	vmin.f32 v2, v6;
	v4 =	vmax.f32 v5, v4;
	(xrf1) =	vsort.ascd.msk.f32 $0xffff, v3, v3  }
0x58: {  	v3 =	vmin.f32 v1, v2;
	(xrf1) =	vsort.ascd.msk.f32 $0xffff, v4, v4  }
0x59: {  	v1 =	vmax.f32 v1, v2;
	(xrf1) =	vsort.ascd.msk.f32 $0xffff, v3, v3  }
0x5a: {  	v2 =	vmin.f32 v8, v10;
	(xrf1) =	vsort.ascd.msk.f32 $0xffff, v1, v1  }
0x5b: {  	(xrf1) =	vsort.ascd.msk.f32 $0xffff, v2, v2;
	_ =	sdelay $0x6  }
0x5c: {  	s18 =	simm.s32 $0x2040;
	v1, _, _ =	vpop (xrf1)  }
0x5d: {  	[tilespmem:s18+$0x30] =	vst v1;
	v1, _, _ =	vpop (xrf1)  }
0x5e: {  	[tilespmem:s18+$0xFFFFFFC0] =	vst v1;
	v1, _, _ =	vpop (xrf1)  }
0x5f: {  	s25 =	simm.s32 $0x401;
	[tilespmem:s18+$0xFFFFFFD0] =	vst v1;
	v1, _, _ =	vpop (xrf1)  }
0x60: {  	s26 =	simm.s32 $0x801;
	v2 =	vor.u32 s25, v0;
	[tilespmem:s18+$0xFFFFFFE0] =	vst v1;
	v1, _, _ =	vpop (xrf1)  }
0x61: {  	s28 =	simm.s32 $0x1;
	v4 =	vor.u32 s26, v0;
	[tilespmem:s18+$0xFFFFFFF0] =	vst v1;
	v1, _, _ =	vpop (xrf1)  }
0x62: {  	v5 =	vor.u32 s28, v0;
	[tilespmem:s18+$0x0] =	vst v1;
	v1, _, _ =	vpop (xrf1)  }
0x63: {  	[tilespmem:s18+$0x10] =	vst v1;
	v1, _, _ =	vpop (xrf1)  }
0x64: {  	s29 =	simm.s32 $0xC01;
	[tilespmem:s18+$0x20] =	vst v1  }
0x65: {  	s30 =	simm.s32 $0x1001;
	v6 =	vor.u32 s29, v0;
	v3 =	vld.idx.msk [tilespmem:v2+s3+$0x0], $0xffff  }
0x66: {  	s31 =	simm.s32 $0x1401;
	v8 =	vor.u32 s30, v0;
	v4 =	vld.idx.msk [tilespmem:v4+s3+$0x0], $0xffff  }
0x67: {  	s21 =	simm.s32 $0x1801;
	s19 =	simm.s32 $0x4010;
	v11 =	vor.u32 s31, v0;
	v5 =	vld.idx.msk [tilespmem:v5+s3+$0x0], $0xffff  }
0x68: {  	s22 =	simm.s32 $0x1C01;
	s20 =	simm.s32 $0x4410;
	v9 =	vor.u32 s21, v0;
	v2 =	vld [tilespmem:s19+$0x0]  }
0x69: {  	v10 =	vor.u32 s22, v0;
	v1 =	vld [tilespmem:s20+$0x0]  }
0x6a: {  	v7 =	vld.idx.msk [tilespmem:v6+s3+$0x0], $0xffff  }
0x6b: {  	v8 =	vld.idx.msk [tilespmem:v8+s3+$0x0], $0xffff  }
0x6c: {  	s21 =	simm.s32 $0x2;
	v6 =	vld.idx.msk [tilespmem:v11+s3+$0x0], $0xffff  }
.LBB2_3:
0x6d: {  	p0 =	sne.s32 s21, $0x3F;
	v5 =	vmul.f32 v5, v2;
	v9 =	vld.idx.msk [tilespmem:v9+s3+$0x0], $0xffff  }
0x6e: {  	v3 =	vmul.f32 v3, v2;
	v10 =	vld.idx.msk [tilespmem:v10+s3+$0x0], $0xffff  }
0x6f: {  	v4 =	vmul.f32 v4, v2;
	v5 =	vadd.f32 v5, v1  }
0x70: {  	v3 =	vadd.f32 v3, v1;
	v7 =	vmul.f32 v7, v2  }
0x71: {  	v4 =	vadd.f32 v4, v1;
	v8 =	vmul.f32 v8, v2;
	(xrf1) =	vsort.ascd.msk.f32 $0xffff, v5, v5  }
0x72: {  	v5 =	vadd.f32 v7, v1;
	v6 =	vmul.f32 v6, v2;
	(xrf1) =	vsort.dscd.msk.f32 $0xffff, v3, v3  }
0x73: {  	v3 =	vadd.f32 v8, v1;
	v7 =	vmul.f32 v9, v2;
	(xrf1) =	vsort.ascd.msk.f32 $0xffff, v4, v4  }
0x74: {  	v4 =	vadd.f32 v6, v1;
	v2 =	vmul.f32 v10, v2;
	(xrf1) =	vsort.dscd.msk.f32 $0xffff, v5, v5  }
0x75: {  	v5 =	vadd.f32 v7, v1;
	(xrf1) =	vsort.ascd.msk.f32 $0xffff, v3, v3  }
0x76: {  	v1 =	vadd.f32 v2, v1;
	(xrf1) =	vsort.dscd.msk.f32 $0xffff, v4, v4  }
0x77: {  	(xrf1) =	vsort.ascd.msk.f32 $0xffff, v5, v5  }
0x78: {  	(xrf1) =	vsort.dscd.msk.f32 $0xffff, v1, v1;
	_ =	sdelay $0x6  }
0x79: {  	v1, _, _ =	vpop (xrf1)  }
0x7a: {  	v2, _, _ =	vpop (xrf1)  }
0x7b: {  	v3 =	vmin.f32 v1, v2;
	v4, _, _ =	vpop (xrf1)  }
0x7c: {  	v1 =	vmax.f32 v1, v2;
	v2, _, _ =	vpop (xrf1);
	(xrf1) =	vsort.ascd.msk.f32 $0xffff, v3, v3  }
0x7d: {  	v3 =	vmax.f32 v4, v2;
	v5, _, _ =	vpop (xrf1);
	(xrf1) =	vsort.ascd.msk.f32 $0xffff, v1, v1  }
0x7e: {  	v1 =	vmin.f32 v4, v2;
	v2, _, _ =	vpop (xrf1);
	(xrf1) =	vsort.dscd.msk.f32 $0xffff, v3, v3  }
0x7f: {  	v3 =	vmin.f32 v5, v2;
	v4, _, _ =	vpop (xrf1);
	(xrf1) =	vsort.dscd.msk.f32 $0xffff, v1, v1  }
0x80: {  	v1 =	vmax.f32 v5, v2;
	v2, _, _ =	vpop (xrf1);
	(xrf1) =	vsort.ascd.msk.f32 $0xffff, v3, v3  }
0x81: {  	v3 =	vmax.f32 v4, v2;
	(xrf1) =	vsort.ascd.msk.f32 $0xffff, v1, v1  }
0x82: {  	v1 =	vmin.f32 v4, v2;
	(xrf1) =	vsort.dscd.msk.f32 $0xffff, v3, v3  }
0x83: {  	(xrf1) =	vsort.dscd.msk.f32 $0xffff, v1, v1;
	_ =	sdelay $0x6  }
0x84: {  	v1, _, _ =	vpop (xrf1)  }
0x85: {  	v2, _, _ =	vpop (xrf1)  }
0x86: {  	v3, _, _ =	vpop (xrf1)  }
0x87: {  	v4, _, _ =	vpop (xrf1)  }
0x88: {  	v9 =	vmin.f32 v1, v3;
	v6 =	vmin.f32 v2, v4;
	v7, _, _ =	vpop (xrf1)  }
0x89: {  	v1 =	vmax.f32 v1, v3;
	v3 =	vmin.f32 v9, v6;
	v8, _, _ =	vpop (xrf1)  }
0x8a: {  	v2 =	vmax.f32 v2, v4;
	v4 =	vmax.f32 v9, v6;
	v5, _, _ =	vpop (xrf1);
	(xrf1) =	vsort.ascd.msk.f32 $0xffff, v3, v3  }
0x8b: {  	v3 =	vmin.f32 v1, v2;
	v6 =	vmax.f32 v7, v5;
	v9, _, _ =	vpop (xrf1);
	(xrf1) =	vsort.ascd.msk.f32 $0xffff, v4, v4  }
0x8c: {  	v1 =	vmax.f32 v1, v2;
	v2 =	vmax.f32 v8, v9;
	(xrf1) =	vsort.ascd.msk.f32 $0xffff, v3, v3  }
0x8d: {  	v3 =	vmin.f32 v7, v5;
	v4 =	vmax.f32 v6, v2;
	(xrf1) =	vsort.ascd.msk.f32 $0xffff, v1, v1  }
0x8e: {  	v1 =	vmin.f32 v8, v9;
	v2 =	vmin.f32 v6, v2;
	(xrf1) =	vsort.dscd.msk.f32 $0xffff, v4, v4  }
0x8f: {  	v4 =	vmax.f32 v3, v1;
	(xrf1) =	vsort.dscd.msk.f32 $0xffff, v2, v2  }
0x90: {  	v1 =	vmin.f32 v3, v1;
	(xrf1) =	vsort.dscd.msk.f32 $0xffff, v4, v4  }
0x91: {  	(xrf1) =	vsort.dscd.msk.f32 $0xffff, v1, v1;
	_ =	sdelay $0x6  }
0x92: {  	v1, _, _ =	vpop (xrf1)  }
0x93: {  	v2, _, _ =	vpop (xrf1)  }
0x94: {  	v3, _, _ =	vpop (xrf1)  }
0x95: {  	v4, _, _ =	vpop (xrf1)  }
0x96: {  	v5, _, _ =	vpop (xrf1)  }
0x97: {  	v6 =	vmin.f32 v1, v5;
	v7, _, _ =	vpop (xrf1)  }
0x98: {  	v8 =	vmin.f32 v2, v7;
	v9, _, _ =	vpop (xrf1)  }
0x99: {  	v1 =	vmax.f32 v1, v5;
	v5 =	vmin.f32 v3, v9;
	v10, _, _ =	vpop (xrf1)  }
0x9a: {  	v2 =	vmax.f32 v2, v7;
	v3 =	vmax.f32 v3, v9;
	v7 =	vmax.f32 v4, v10  }
0x9b: {  	v4 =	vmin.f32 v4, v10;
	v9 =	vmax.f32 v1, v3;
	v10 =	vmax.f32 v2, v7  }
0x9c: {  	v11 =	vmin.f32 v6, v5;
	v5 =	vmax.f32 v6, v5;
	v6 =	vmax.f32 v9, v10  }
0x9d: {  	v12 =	vmin.f32 v8, v4;
	v4 =	vmax.f32 v8, v4;
	(xrf1) =	vsort.ascd.msk.f32 $0xffff, v6, v6  }
0x9e: {  	v1 =	vmin.f32 v1, v3;
	v2 =	vmin.f32 v2, v7;
	v3 =	vmin.f32 v11, v12  }
0x9f: {  	v7 =	vmin.f32 v5, v4;
	v4 =	vmax.f32 v5, v4;
	v6 =	vmax.f32 v11, v12  }
0xa0: {  	v5 =	vmin.f32 v1, v2;
	v1 =	vmax.f32 v1, v2;
	v2 =	vmin.f32 v9, v10  }
0xa1: {  	(xrf1) =	vsort.ascd.msk.f32 $0xffff, v3, v3  }
0xa2: {  	(xrf1) =	vsort.ascd.msk.f32 $0xffff, v6, v6  }
0xa3: {  	(xrf1) =	vsort.ascd.msk.f32 $0xffff, v7, v7  }
0xa4: {  	(xrf1) =	vsort.ascd.msk.f32 $0xffff, v4, v4  }
0xa5: {  	(xrf1) =	vsort.ascd.msk.f32 $0xffff, v5, v5  }
0xa6: {  	(xrf1) =	vsort.ascd.msk.f32 $0xffff, v1, v1  }
0xa7: {  	(xrf1) =	vsort.ascd.msk.f32 $0xffff, v2, v2;
	_ =	sdelay $0x3  }
0xa8: {  	s18 =	sadd.s32 $0x80, s18;
	v1, _, _ =	vpop (xrf1)  }
0xa9: {  	[tilespmem:s18+$0x30] =	vst v1;
	_ =	sdelay $0x2  }
0xaa: {  	v1, _, _ =	vpop (xrf1)  }
0xab: {  	[tilespmem:s18+$0xFFFFFFC0] =	vst v1;
	v1, _, _ =	vpop (xrf1)  }
0xac: {  	s22 =	sadd.s32 $0x400, s21;
	[tilespmem:s18+$0xFFFFFFD0] =	vst v1;
	v1, _, _ =	vpop (xrf1)  }
0xad: {  	v2 =	vor.u32 s22, v0;
	s22 =	sadd.s32 $0x800, s21;
	[tilespmem:s18+$0xFFFFFFE0] =	vst v1;
	v1, _, _ =	vpop (xrf1)  }
0xae: {  	v4 =	vor.u32 s22, v0;
	[tilespmem:s18+$0xFFFFFFF0] =	vst v1;
	v1, _, _ =	vpop (xrf1)  }
0xaf: {  	v5 =	vor.u32 s21, v0;
	[tilespmem:s18+$0x0] =	vst v1;
	v1, _, _ =	vpop (xrf1)  }
0xb0: {  	[tilespmem:s18+$0x10] =	vst v1;
	v1, _, _ =	vpop (xrf1)  }
0xb1: {  	s22 =	sadd.s32 $0xC00, s21;
	[tilespmem:s18+$0x20] =	vst v1  }
0xb2: {  	v6 =	vor.u32 s22, v0;
	s22 =	sadd.s32 $0x1000, s21;
	v3 =	vld.idx.msk [tilespmem:v2+s3+$0x0], $0xffff  }
0xb3: {  	v8 =	vor.u32 s22, v0;
	s22 =	sadd.s32 $0x1400, s21;
	v4 =	vld.idx.msk [tilespmem:v4+s3+$0x0], $0xffff  }
0xb4: {  	s19 =	sadd.s32 $0x10, s19;
	v11 =	vor.u32 s22, v0;
	s22 =	sadd.s32 $0x1800, s21;
	v5 =	vld.idx.msk [tilespmem:v5+s3+$0x0], $0xffff  }
.Ltmp0:
0xb5: {  	s20 =	sadd.s32 $0x10, s20;
	v9 =	vor.u32 s22, v0;
	s22 =	sadd.s32 $0x1C00, s21;
	v2 =	vld [tilespmem:s19+$0x0];
	(pc) =	sbr.rel @p0 .LBB2_3-.Ltmp0, $4  }
0xb6: {  	v10 =	vor.u32 s22, v0;
	v1 =	vld [tilespmem:s20+$0x0]  }
0xb7: {  	v7 =	vld.idx.msk [tilespmem:v6+s3+$0x0], $0xffff  }
0xb8: {  	v8 =	vld.idx.msk [tilespmem:v8+s3+$0x0], $0xffff  }
0xb9: {  	s21 =	sadd.s32 $0x1, s21;
	v6 =	vld.idx.msk [tilespmem:v11+s3+$0x0], $0xffff  }
0xba: {  	_ =	sdelay $0x2  }
0xbb: {  	v5 =	vmul.f32 v5, v2  }
0xbc: {  	v9 =	vld.idx.msk [tilespmem:v9+s3+$0x0], $0xffff;
	v3 =	vmul.f32 v3, v2  }
0xbd: {  	v10 =	vld.idx.msk [tilespmem:v10+s3+$0x0], $0xffff;
	v4 =	vmul.f32 v4, v2;
	v5 =	vadd.f32 v5, v1  }
0xbe: {  	v3 =	vadd.f32 v3, v1;
	v7 =	vmul.f32 v7, v2  }
0xbf: {  	v4 =	vadd.f32 v4, v1;
	v8 =	vmul.f32 v8, v2;
	(xrf1) =	vsort.ascd.msk.f32 $0xffff, v5, v5  }
0xc0: {  	v34 =	vadd.f32 v7, v1;
	v6 =	vmul.f32 v6, v2;
	(xrf1) =	vsort.dscd.msk.f32 $0xffff, v3, v3  }
0xc1: {  	v3 =	vadd.f32 v8, v1;
	v35 =	vmul.f32 v9, v2;
	(xrf1) =	vsort.ascd.msk.f32 $0xffff, v4, v4  }
0xc2: {  	v2 =	vmul.f32 v10, v2;
	v36 =	vadd.f32 v6, v1;
	(xrf1) =	vsort.dscd.msk.f32 $0xffff, v34, v34  }
0xc3: {  	v37 =	vadd.f32 v35, v1;
	(xrf1) =	vsort.ascd.msk.f32 $0xffff, v3, v3  }
0xc4: {  	v1 =	vadd.f32 v2, v1;
	(xrf1) =	vsort.dscd.msk.f32 $0xffff, v36, v36  }
0xc5: {  	(xrf1) =	vsort.ascd.msk.f32 $0xffff, v37, v37  }
0xc6: {  	(xrf1) =	vsort.dscd.msk.f32 $0xffff, v1, v1;
	_ =	sdelay $0x6  }
0xc7: {  	v1, _, _ =	vpop (xrf1)  }
0xc8: {  	v2, _, _ =	vpop (xrf1)  }
0xc9: {  	v3 =	vmin.f32 v1, v2;
	v38, _, _ =	vpop (xrf1)  }
0xca: {  	v1 =	vmax.f32 v1, v2;
	v2, _, _ =	vpop (xrf1);
	(xrf1) =	vsort.ascd.msk.f32 $0xffff, v3, v3  }
0xcb: {  	v3 =	vmax.f32 v38, v2;
	v39, _, _ =	vpop (xrf1);
	(xrf1) =	vsort.ascd.msk.f32 $0xffff, v1, v1  }
0xcc: {  	v1 =	vmin.f32 v38, v2;
	v2, _, _ =	vpop (xrf1);
	(xrf1) =	vsort.dscd.msk.f32 $0xffff, v3, v3  }
0xcd: {  	v3 =	vmin.f32 v39, v2;
	v40, _, _ =	vpop (xrf1);
	(xrf1) =	vsort.dscd.msk.f32 $0xffff, v1, v1  }
0xce: {  	v1 =	vmax.f32 v39, v2;
	v2, _, _ =	vpop (xrf1);
	(xrf1) =	vsort.ascd.msk.f32 $0xffff, v3, v3  }
0xcf: {  	v3 =	vmax.f32 v40, v2;
	(xrf1) =	vsort.ascd.msk.f32 $0xffff, v1, v1  }
0xd0: {  	v1 =	vmin.f32 v40, v2;
	(xrf1) =	vsort.dscd.msk.f32 $0xffff, v3, v3  }
0xd1: {  	(xrf1) =	vsort.dscd.msk.f32 $0xffff, v1, v1;
	_ =	sdelay $0x6  }
0xd2: {  	v1, _, _ =	vpop (xrf1)  }
0xd3: {  	v2, _, _ =	vpop (xrf1)  }
0xd4: {  	v3, _, _ =	vpop (xrf1)  }
0xd5: {  	v41, _, _ =	vpop (xrf1)  }
0xd6: {  	v42 =	vmin.f32 v1, v3;
	v43 =	vmin.f32 v2, v41;
	v44, _, _ =	vpop (xrf1)  }
0xd7: {  	v1 =	vmax.f32 v1, v3;
	v3 =	vmin.f32 v42, v43;
	v45, _, _ =	vpop (xrf1)  }
0xd8: {  	v2 =	vmax.f32 v2, v41;
	v46 =	vmax.f32 v42, v43;
	v47, _, _ =	vpop (xrf1);
	(xrf1) =	vsort.ascd.msk.f32 $0xffff, v3, v3  }
0xd9: {  	v3 =	vmin.f32 v1, v2;
	v1 =	vmax.f32 v1, v2;
	v49, _, _ =	vpop (xrf1);
	(xrf1) =	vsort.ascd.msk.f32 $0xffff, v46, v46  }
0xda: {  	v48 =	vmax.f32 v44, v47;
	v2 =	vmax.f32 v45, v49;
	(xrf1) =	vsort.ascd.msk.f32 $0xffff, v3, v3  }
0xdb: {  	v3 =	vmin.f32 v44, v47;
	v50 =	vmax.f32 v48, v2;
	(xrf1) =	vsort.ascd.msk.f32 $0xffff, v1, v1  }
0xdc: {  	v1 =	vmin.f32 v45, v49;
	v2 =	vmin.f32 v48, v2;
	(xrf1) =	vsort.dscd.msk.f32 $0xffff, v50, v50  }
0xdd: {  	v51 =	vmax.f32 v3, v1;
	(xrf1) =	vsort.dscd.msk.f32 $0xffff, v2, v2  }
0xde: {  	v1 =	vmin.f32 v3, v1;
	(xrf1) =	vsort.dscd.msk.f32 $0xffff, v51, v51  }
0xdf: {  	(xrf1) =	vsort.dscd.msk.f32 $0xffff, v1, v1;
	_ =	sdelay $0x6  }
0xe0: {  	v1, _, _ =	vpop (xrf1)  }
0xe1: {  	v2, _, _ =	vpop (xrf1)  }
0xe2: {  	v3, _, _ =	vpop (xrf1)  }
0xe3: {  	v52, _, _ =	vpop (xrf1)  }
0xe4: {  	v53, _, _ =	vpop (xrf1)  }
0xe5: {  	v54, _, _ =	vpop (xrf1)  }
0xe6: {  	v55 =	vmin.f32 v1, v53;
	v56, _, _ =	vpop (xrf1)  }
0xe7: {  	v1 =	vmax.f32 v1, v53;
	v57 =	vmin.f32 v2, v54;
	v2 =	vmax.f32 v2, v54;
	v59, _, _ =	vpop (xrf1)  }
0xe8: {  	v58 =	vmin.f32 v3, v56;
	v3 =	vmax.f32 v3, v56;
	v60 =	vmax.f32 v52, v59  }
0xe9: {  	v4 =	vmin.f32 v52, v59;
	v8 =	vmax.f32 v1, v3;
	v61 =	vmax.f32 v2, v60  }
0xea: {  	v11 =	vmin.f32 v55, v58;
	v13 =	vmin.f32 v57, v4;
	v12 =	vmax.f32 v8, v61  }
0xeb: {  	v5 =	vmax.f32 v55, v58;
	v62 =	vmin.f32 v11, v13;
	(xrf1) =	vsort.ascd.msk.f32 $0xffff, v12, v12  }
0xec: {  	v4 =	vmax.f32 v57, v4;
	v63 =	vmax.f32 v11, v13;
	(xrf1) =	vsort.ascd.msk.f32 $0xffff, v62, v62  }
0xed: {  	v1 =	vmin.f32 v1, v3;
	v3 =	vmin.f32 v5, v4;
	(xrf1) =	vsort.ascd.msk.f32 $0xffff, v63, v63  }
0xee: {  	v2 =	vmin.f32 v2, v60;
	v4 =	vmax.f32 v5, v4;
	(xrf1) =	vsort.ascd.msk.f32 $0xffff, v3, v3  }
0xef: {  	v3 =	vmin.f32 v1, v2;
	(xrf1) =	vsort.ascd.msk.f32 $0xffff, v4, v4  }
0xf0: {  	v1 =	vmax.f32 v1, v2;
	(xrf1) =	vsort.ascd.msk.f32 $0xffff, v3, v3  }
0xf1: {  	v2 =	vmin.f32 v8, v61;
	(xrf1) =	vsort.ascd.msk.f32 $0xffff, v1, v1  }
0xf2: {  	(xrf1) =	vsort.ascd.msk.f32 $0xffff, v2, v2;
	_ =	sdelay $0x6  }
0xf3: {  	s18 =	sadd.s32 $0x80, s18;
	v1, _, _ =	vpop (xrf1)  }
0xf4: {  	[tilespmem:s18+$0x30] =	vst v1;
	v1, _, _ =	vpop (xrf1)  }
0xf5: {  	[tilespmem:s18+$0xFFFFFFC0] =	vst v1;
	v1, _, _ =	vpop (xrf1)  }
0xf6: {  	[tilespmem:s18+$0xFFFFFFD0] =	vst v1;
	v1, _, _ =	vpop (xrf1)  }
0xf7: {  	[tilespmem:s18+$0xFFFFFFE0] =	vst v1;
	v1, _, _ =	vpop (xrf1)  }
0xf8: {  	[tilespmem:s18+$0xFFFFFFF0] =	vst v1;
	v1, _, _ =	vpop (xrf1)  }
0xf9: {  	s16 =	sadd.s32 $0x1, s16;
	[tilespmem:s18+$0x0] =	vst v1;
	v1, _, _ =	vpop (xrf1)  }
0xfa: {  	p0 =	sne.s32 s16, $0x80;
	[tilespmem:s18+$0x10] =	vst v1;
	v1, _, _ =	vpop (xrf1)  }
.Ltmp1:
0xfb: {  	s17 =	sadd.s32 s2, s17;
	[tilespmem:s18+$0x20] =	vst v1;
	(pc) =	sbr.rel @p0 .LBB2_2-.Ltmp1, $4  }
0xfc: {  	[hbm4b:s17+s12] =	stream.strided.scatter [tilespmem:s14], [sflag:$0x1], $0x2000, s13, s12, $0x38;
	[tilespmem:$0x4800] =	vst v63  }
0xfd: {  	_ =	swait.ge [sflag:s10], $0x2000  }
0xfe: {  	[sflag:s10] =	ssyncset.done $0x0  }
0xff: {  	[sflag:s10] =	ssyncadd.s32 $0xFFFFE000  }
0x100: {  	s15 =	sadd.s32 $0x1, s15  }
0x101: {  	p0 =	sne.s32 s15, s8  }
.Ltmp2:
0x102: {  	_ = 	snop;
	(pc) =	sbr.rel @p0 .LBB2_1-.Ltmp2, $1  }
0x103: {  	_ =	sdelay $0x3  }
0x104: {  	_ =	sfence.sel $0x180000  }
0x105: {  	[bflag:$0x0] =	sbarrier.arrive $0xFFFF  }
0x106: {  	p0 =	sne.s32 s4, $0x0;
	_ =	strace $0x90000047  }
0x107: {  	s0 =	sadd.s32 @!p0 $0x100000, s0;
	[bflag:$0x2] =	sbarrier.arrive $0xFFFF  }
0x108: {  	[sflag:s0] =	ssyncadd.tile.s32 @!p0 $0x1;
	_ =	shalt  }
.Lfunc_end2:
_tile_overlayer_lowered:
.L_overlay_start_2:
0x109: {  	(tag) =	ssettag $0x2  }
0x10a: {  	s0 =	rddreg [dreg:$0x0];
	s2 =	stileid.u32  }
0x10b: {  	s1 =	rddreg [dreg:$0x1];
	p0 =	sne.s32 s2, $0x0  }
0x10c: {  	s3 =	rddreg [dreg:$0x2];
	[bflag:$0x3] =	sbarrier.arrive $0xFFFF;
	s2 =	simm.s32 @!p0 $0x1C01  }
0x10d: {  	[timem:s3], [sflag:s2] =	dma.local @!p0 [hbm:s0], s1  }
0x10e: {  	s0 =	simm.s32 @!p0 $0x1  }
0x10f: {  	_ =	swait.ge @!p0 [sflag:s0], s1  }
0x110: {  	s1 =	ssub.s32 @!p0 $0x0, s1;
	[sflag:s0] =	ssyncset.done @!p0 $0x0  }
0x111: {  	[sflag:s0] =	ssyncadd.s32 @!p0 s1  }
0x112: {  	[bflag:$0x3] =	sbarrier.arrive $0xFFFF  }
0x113: {  	_ =	shalt  }

</sc_bundles>
